<compile_context>
chip_gen: v7x
topology: tpu7x:2x2x1
jax: 0.10.2.dev20260603
libtpu: 0.0.44.dev20260713+nightly
codegen_flags: <defaults>
</compile_context>

<pallas_src>
import functools

import jax
import jax.numpy as jnp
from jax import lax
from jax.experimental import pallas as pl
from jax.experimental.pallas import tpu as pltpu
from jax.experimental.pallas import tpu_sc as plsc

_B, _S, _C = 4096, 50, 1000
_NC = 2
_NS = 16
_NW = _NC * _NS
_BW = _B // _NW
_NG = _BW // 16
_H0 = 504
_H1 = _C - _H0

_mesh = plsc.VectorSubcoreMesh(core_axis_name="c", subcore_axis_name="s")


@functools.partial(
    pl.kernel,
    mesh=_mesh,
    out_type=jax.ShapeDtypeStruct((_S, _C, _B), jnp.int32),
    scratch_types=[
        pltpu.VMEM((3, _BW), jnp.int32),
        pltpu.VMEM((1, _H0, _BW), jnp.int32),
        pltpu.VMEM((1, _H1, _BW), jnp.int32),
        pltpu.SemaphoreType.DMA,
        pltpu.SemaphoreType.DMA,
        pltpu.SemaphoreType.DMA,
    ],
    compiler_params=pltpu.CompilerParams(needs_layout_passes=False),
)
def _sc_onehot(xt_hbm, z_hbm, out_hbm, idx_v, buf0_v, buf1_v, sem0, sem1, semi):
    wid = lax.axis_index("s") * _NC + lax.axis_index("c")
    b0 = wid * _BW
    pltpu.sync_copy(z_hbm.at[:, pl.ds(0, _H0), :], buf0_v)
    pltpu.sync_copy(z_hbm.at[:, pl.ds(_H0, _H1), :], buf1_v)
    pltpu.sync_copy(xt_hbm.at[pl.ds(b0, _BW)], idx_v.at[0])

    lanes = lax.iota(jnp.int32, 16)
    ones = jnp.ones((16,), jnp.int32)
    zeros = jnp.zeros((16,), jnp.int32)
    zero16 = jnp.zeros((16,), jnp.int32)
    halves = ((buf0_v, sem0, 0, _H0), (buf1_v, sem1, _H0, _H1))

    def scat(slot, buf, c0, clen, val):
        def g_body(g, carry):
            bi = g * 16 + lanes
            xv = idx_v[slot, pl.ds(g * 16, 16)]
            m = (xv >= c0) & (xv < c0 + clen)
            row = jnp.minimum(jnp.maximum(xv - c0, 0), clen - 1)
            plsc.store_scatter(buf, [zero16, row, bi], val, mask=m)
            return carry

        lax.fori_loop(0, _NG, g_body, 0)

    def out_dma(buf, sem, s, c0, clen):
        return pltpu.make_async_copy(
            buf,
            out_hbm.at[pl.ds(s, 1), pl.ds(c0, clen), pl.ds(b0, _BW)],
            sem,
        )

    def plane(s, carry):
        slot = lax.rem(s, 3)
        prev = lax.rem(s + 2, 3)
        pltpu.make_async_copy(
            xt_hbm.at[pl.ds(lax.rem(s + 1, _S) * _B + b0, _BW)],
            idx_v.at[lax.rem(s + 1, 3)],
            semi,
        ).start()
        for buf, sem, c0, clen in halves:
            @pl.when(s > 0)
            def _():
                out_dma(buf, sem, s - 1, c0, clen).wait()
                scat(prev, buf, c0, clen, zeros)

            scat(slot, buf, c0, clen, ones)
            out_dma(buf, sem, s, c0, clen).start()
        pltpu.make_async_copy(
            xt_hbm.at[pl.ds(0, _BW)], idx_v.at[0], semi
        ).wait()
        return carry

    lax.fori_loop(0, _S, plane, 0)
    for buf, sem, c0, clen in halves:
        out_dma(buf, sem, _S - 1, c0, clen).wait()


def kernel(x):
    xt = x.T.reshape(_S * _B)
    out_t = _sc_onehot(xt, jnp.zeros((1, _C, _BW), jnp.int32))
    return jnp.transpose(out_t, (2, 0, 1))

# --- scband reference (transcript-rebuilt; emitter-appended) ---
"""Pipeline reference for scband-one-hot-embedding-80728205296048 (READ-ONLY COPY).

The authoritative reference and input builder live on the scoring server;
editing this copy changes nothing except your own understanding.
"""

import jax, jax.numpy as jnp
import numpy as np

N_CLASSES = 1000

def setup_inputs(seed: int = 0) -> dict:
    key = jax.random.key(seed)
    x = jax.random.randint(key, (4096, 50), 0, N_CLASSES, dtype=jnp.int64 if jax.config.jax_enable_x64 else jnp.int32)
    return {"x": x}

def reference(x) -> jnp.ndarray:
    # Faithful translation of torch.nn.functional.one_hot(x, num_classes=n_classes),
    # which returns an integer (long) tensor with a trailing class dimension.
    out = (x[..., None] == jnp.arange(N_CLASSES, dtype=x.dtype)).astype(jnp.int64 if jax.config.jax_enable_x64 else jnp.int32)
    return out

if __name__ == "__main__":
    import jax
    _d = setup_inputs()
    print(jax.jit(kernel)(*tuple(_d.values())))

</pallas_src>

<mosaic_0001>
#map = affine_map<(d0, d1) -> (0)>
#map1 = affine_map<(d0, d1) -> (0, 0, 0)>
module attributes {stable_mosaic.version = 14 : i64} {
  func.func @_sc_onehot(%arg0: i32, %arg1: i32, %arg2: memref<204800xi32, #tpu.memory_space<hbm>>, %arg3: memref<1x1000x128xi32, #tpu.memory_space<hbm>>, %arg4: memref<50x1000x4096xi32, #tpu.memory_space<hbm>>, %arg5: memref<3x128xi32, #tpu.memory_space<vmem>>, %arg6: memref<1x504x128xi32, #tpu.memory_space<vmem>>, %arg7: memref<1x496x128xi32, #tpu.memory_space<vmem>>, %arg8: memref<!tpu.dma_semaphore, #tpu.memory_space<semaphore_mem>>, %arg9: memref<!tpu.dma_semaphore, #tpu.memory_space<semaphore_mem>>, %arg10: memref<!tpu.dma_semaphore, #tpu.memory_space<semaphore_mem>>) attributes {dimension_semantics = [#tpu.dimension_semantics<core_parallel>, #tpu.dimension_semantics<subcore_parallel>], iteration_bounds = array<i64: 2, 16>, scalar_prefetch = 0 : i64, scratch_operands = 6 : i64, tpu.core_type = #tpu.core_type<sc_vector_subcore>, window_params = [{transform_indices = #map}, {transform_indices = #map1}, {transform_indices = #map1}]} {
    %mul3A = arith.constant 2 : i32
    %mul3A_0 = arith.muli %arg1, %mul3A : i32
    %add3A = arith.addi %mul3A_0, %arg0 : i32
    %mul3A_1 = arith.constant 128 : i32
    %mul3A_2 = arith.muli %add3A, %mul3A_1 : i32
    "tpu.region"() ({
      %run_scoped3A_24 = tpu.sem_alloc : memref<!tpu.dma_semaphore, #tpu.memory_space<semaphore_mem>>
      %dma_start3A = arith.constant 0 : i32
      %dma_start3A_25 = arith.constant 0 : i32
      %dma_start3A_26 = arith.constant 0 : i32
      %dma_start3A_27 = tpu.memref_slice %arg3[%dma_start3A, %dma_start3A_25, %dma_start3A_26] : memref<1x1000x128xi32, #tpu.memory_space<hbm>> -> memref<1x504x128xi32, #tpu.memory_space<hbm>>
      %dma_start3A_28 = arith.constant 0 : i32
      %dma_start3A_29 = arith.constant 0 : i32
      %dma_start3A_30 = arith.constant 0 : i32
      %dma_start3A_31 = tpu.memref_slice %arg3[%dma_start3A_28, %dma_start3A_29, %dma_start3A_30] : memref<1x1000x128xi32, #tpu.memory_space<hbm>> -> memref<1x504x128xi32, #tpu.memory_space<hbm>>
      tpu.enqueue_dma source(%dma_start3A_31 : memref<1x504x128xi32, #tpu.memory_space<hbm>>) target(%arg6 : memref<1x504x128xi32, #tpu.memory_space<vmem>>) target_semaphore(%run_scoped3A_24 : memref<!tpu.dma_semaphore, #tpu.memory_space<semaphore_mem>>)
      %dma_wait3A_32 = arith.constant 0 : i32
      %dma_wait3A_33 = arith.constant 0 : i32
      %dma_wait3A_34 = arith.constant 0 : i32
      %dma_wait3A_35 = tpu.memref_slice %arg3[%dma_wait3A_32, %dma_wait3A_33, %dma_wait3A_34] : memref<1x1000x128xi32, #tpu.memory_space<hbm>> -> memref<1x504x128xi32, #tpu.memory_space<hbm>>
      %dma_wait3A_36 = arith.constant 0 : i32
      %dma_wait3A_37 = arith.constant 0 : i32
      %dma_wait3A_38 = arith.constant 0 : i32
      %dma_wait3A_39 = tpu.memref_slice %arg3[%dma_wait3A_36, %dma_wait3A_37, %dma_wait3A_38] : memref<1x1000x128xi32, #tpu.memory_space<hbm>> -> memref<1x504x128xi32, #tpu.memory_space<hbm>>
      tpu.wait_dma2 semaphore(%run_scoped3A_24 : memref<!tpu.dma_semaphore, #tpu.memory_space<semaphore_mem>>) src(%dma_wait3A_39 : memref<1x504x128xi32, #tpu.memory_space<hbm>>) dst(%arg6 : memref<1x504x128xi32, #tpu.memory_space<vmem>>)
      tpu.yield
    }) : () -> ()
    "tpu.region"() ({
      %run_scoped3A_24 = tpu.sem_alloc : memref<!tpu.dma_semaphore, #tpu.memory_space<semaphore_mem>>
      %dma_start3A = arith.constant 0 : i32
      %dma_start3A_25 = arith.constant 504 : i32
      %dma_start3A_26 = arith.constant 0 : i32
      %dma_start3A_27 = tpu.memref_slice %arg3[%dma_start3A, %dma_start3A_25, %dma_start3A_26] : memref<1x1000x128xi32, #tpu.memory_space<hbm>> -> memref<1x496x128xi32, #tpu.memory_space<hbm>>
      %dma_start3A_28 = arith.constant 0 : i32
      %dma_start3A_29 = arith.constant 504 : i32
      %dma_start3A_30 = arith.constant 0 : i32
      %dma_start3A_31 = tpu.memref_slice %arg3[%dma_start3A_28, %dma_start3A_29, %dma_start3A_30] : memref<1x1000x128xi32, #tpu.memory_space<hbm>> -> memref<1x496x128xi32, #tpu.memory_space<hbm>>
      tpu.enqueue_dma source(%dma_start3A_31 : memref<1x496x128xi32, #tpu.memory_space<hbm>>) target(%arg7 : memref<1x496x128xi32, #tpu.memory_space<vmem>>) target_semaphore(%run_scoped3A_24 : memref<!tpu.dma_semaphore, #tpu.memory_space<semaphore_mem>>)
      %dma_wait3A_32 = arith.constant 0 : i32
      %dma_wait3A_33 = arith.constant 504 : i32
      %dma_wait3A_34 = arith.constant 0 : i32
      %dma_wait3A_35 = tpu.memref_slice %arg3[%dma_wait3A_32, %dma_wait3A_33, %dma_wait3A_34] : memref<1x1000x128xi32, #tpu.memory_space<hbm>> -> memref<1x496x128xi32, #tpu.memory_space<hbm>>
      %dma_wait3A_36 = arith.constant 0 : i32
      %dma_wait3A_37 = arith.constant 504 : i32
      %dma_wait3A_38 = arith.constant 0 : i32
      %dma_wait3A_39 = tpu.memref_slice %arg3[%dma_wait3A_36, %dma_wait3A_37, %dma_wait3A_38] : memref<1x1000x128xi32, #tpu.memory_space<hbm>> -> memref<1x496x128xi32, #tpu.memory_space<hbm>>
      tpu.wait_dma2 semaphore(%run_scoped3A_24 : memref<!tpu.dma_semaphore, #tpu.memory_space<semaphore_mem>>) src(%dma_wait3A_39 : memref<1x496x128xi32, #tpu.memory_space<hbm>>) dst(%arg7 : memref<1x496x128xi32, #tpu.memory_space<vmem>>)
      tpu.yield
    }) : () -> ()
    %run_scoped3A = arith.constant 0 : i32
    "tpu.region"() ({
      %run_scoped3A_24 = tpu.sem_alloc : memref<!tpu.dma_semaphore, #tpu.memory_space<semaphore_mem>>
      %dma_start3A = arith.constant 0 : i32
      %dma_start3A_25 = tpu.memref_slice %arg5[%run_scoped3A, %dma_start3A] : memref<3x128xi32, #tpu.memory_space<vmem>> -> memref<1x128xi32, #tpu.memory_space<vmem>>
      %dma_start3A_26 = tpu.memref_squeeze %dma_start3A_25 : memref<1x128xi32, #tpu.memory_space<vmem>> -> memref<128xi32, #tpu.memory_space<vmem>>
      %dma_start3A_27 = tpu.memref_slice %arg2[%mul3A_2] : memref<204800xi32, #tpu.memory_space<hbm>> -> memref<128xi32, #tpu.memory_space<hbm>>
      %dma_start3A_28 = arith.constant 0 : i32
      %dma_start3A_29 = tpu.memref_slice %arg5[%run_scoped3A, %dma_start3A_28] : memref<3x128xi32, #tpu.memory_space<vmem>> -> memref<1x128xi32, #tpu.memory_space<vmem>>
      %dma_start3A_30 = tpu.memref_squeeze %dma_start3A_29 : memref<1x128xi32, #tpu.memory_space<vmem>> -> memref<128xi32, #tpu.memory_space<vmem>>
      %dma_start3A_31 = tpu.memref_slice %arg2[%mul3A_2] : memref<204800xi32, #tpu.memory_space<hbm>> -> memref<128xi32, #tpu.memory_space<hbm>>
      tpu.enqueue_dma source(%dma_start3A_31 : memref<128xi32, #tpu.memory_space<hbm>>) target(%dma_start3A_30 : memref<128xi32, #tpu.memory_space<vmem>>) target_semaphore(%run_scoped3A_24 : memref<!tpu.dma_semaphore, #tpu.memory_space<semaphore_mem>>)
      %dma_wait3A_32 = arith.constant 0 : i32
      %dma_wait3A_33 = tpu.memref_slice %arg5[%run_scoped3A, %dma_wait3A_32] : memref<3x128xi32, #tpu.memory_space<vmem>> -> memref<1x128xi32, #tpu.memory_space<vmem>>
      %dma_wait3A_34 = tpu.memref_squeeze %dma_wait3A_33 : memref<1x128xi32, #tpu.memory_space<vmem>> -> memref<128xi32, #tpu.memory_space<vmem>>
      %dma_wait3A_35 = tpu.memref_slice %arg2[%mul3A_2] : memref<204800xi32, #tpu.memory_space<hbm>> -> memref<128xi32, #tpu.memory_space<hbm>>
      %dma_wait3A_36 = arith.constant 0 : i32
      %dma_wait3A_37 = tpu.memref_slice %arg5[%run_scoped3A, %dma_wait3A_36] : memref<3x128xi32, #tpu.memory_space<vmem>> -> memref<1x128xi32, #tpu.memory_space<vmem>>
      %dma_wait3A_38 = tpu.memref_squeeze %dma_wait3A_37 : memref<1x128xi32, #tpu.memory_space<vmem>> -> memref<128xi32, #tpu.memory_space<vmem>>
      %dma_wait3A_39 = tpu.memref_slice %arg2[%mul3A_2] : memref<204800xi32, #tpu.memory_space<hbm>> -> memref<128xi32, #tpu.memory_space<hbm>>
      tpu.wait_dma2 semaphore(%run_scoped3A_24 : memref<!tpu.dma_semaphore, #tpu.memory_space<semaphore_mem>>) src(%dma_wait3A_39 : memref<128xi32, #tpu.memory_space<hbm>>) dst(%dma_wait3A_38 : memref<128xi32, #tpu.memory_space<vmem>>)
      tpu.yield
    }) : () -> ()
    %iota3A = tpu.iota {dimensions = array<i32: 0>} : vector<16xi32>
    %broadcast_in_dim3A = arith.constant 1 : i32
    %broadcast_in_dim3A_3 = vector.broadcast %broadcast_in_dim3A : i32 to vector<16xi32>
    %broadcast_in_dim3A_4 = arith.constant 0 : i32
    %broadcast_in_dim3A_5 = vector.broadcast %broadcast_in_dim3A_4 : i32 to vector<16xi32>
    %broadcast_in_dim3A_6 = arith.constant 0 : i32
    %broadcast_in_dim3A_7 = vector.broadcast %broadcast_in_dim3A_6 : i32 to vector<16xi32>
    %scan3A = arith.constant 0 : i32
    %scan3A_8 = arith.constant 0 : i32
    %scan3A_9 = arith.constant 50 : i32
    %scan3A_10 = arith.addi %scan3A_8, %scan3A_9 : i32
    %scan3A_11 = arith.constant 1 : i32
    scf.for %scan3A_24 = %scan3A_8 to %scan3A_10 step %scan3A_11  : i32 {
      %rem3A = arith.constant 3 : i32
      %rem3A_25 = arith.remsi %scan3A_24, %rem3A : i32
      %add3A_26 = arith.constant 2 : i32
      %add3A_27 = arith.addi %scan3A_24, %add3A_26 : i32
      %rem3A_28 = arith.constant 3 : i32
      %rem3A_29 = arith.remsi %add3A_27, %rem3A_28 : i32
      %add3A_30 = arith.constant 1 : i32
      %add3A_31 = arith.addi %scan3A_24, %add3A_30 : i32
      %rem3A_32 = arith.constant 50 : i32
      %rem3A_33 = arith.remsi %add3A_31, %rem3A_32 : i32
      %mul3A_34 = arith.constant 4096 : i32
      %mul3A_35 = arith.muli %rem3A_33, %mul3A_34 : i32
      %add3A_36 = arith.addi %mul3A_35, %mul3A_2 : i32
      %add3A_37 = arith.constant 1 : i32
      %add3A_38 = arith.addi %scan3A_24, %add3A_37 : i32
      %rem3A_39 = arith.constant 3 : i32
      %rem3A_40 = arith.remsi %add3A_38, %rem3A_39 : i32
      %dma_start3A = arith.constant 0 : i32
      %dma_start3A_41 = tpu.memref_slice %arg5[%rem3A_40, %dma_start3A] : memref<3x128xi32, #tpu.memory_space<vmem>> -> memref<1x128xi32, #tpu.memory_space<vmem>>
      %dma_start3A_42 = tpu.memref_squeeze %dma_start3A_41 : memref<1x128xi32, #tpu.memory_space<vmem>> -> memref<128xi32, #tpu.memory_space<vmem>>
      %dma_start3A_43 = tpu.memref_slice %arg2[%add3A_36] : memref<204800xi32, #tpu.memory_space<hbm>> -> memref<128xi32, #tpu.memory_space<hbm>>
      %dma_start3A_44 = arith.constant 0 : i32
      %dma_start3A_45 = tpu.memref_slice %arg5[%rem3A_40, %dma_start3A_44] : memref<3x128xi32, #tpu.memory_space<vmem>> -> memref<1x128xi32, #tpu.memory_space<vmem>>
      %dma_start3A_46 = tpu.memref_squeeze %dma_start3A_45 : memref<1x128xi32, #tpu.memory_space<vmem>> -> memref<128xi32, #tpu.memory_space<vmem>>
      %dma_start3A_47 = tpu.memref_slice %arg2[%add3A_36] : memref<204800xi32, #tpu.memory_space<hbm>> -> memref<128xi32, #tpu.memory_space<hbm>>
      tpu.enqueue_dma source(%dma_start3A_47 : memref<128xi32, #tpu.memory_space<hbm>>) target(%dma_start3A_46 : memref<128xi32, #tpu.memory_space<vmem>>) target_semaphore(%arg10 : memref<!tpu.dma_semaphore, #tpu.memory_space<semaphore_mem>>)
      %gt3A = arith.constant 0 : i32
      %gt3A_48 = arith.cmpi sgt, %scan3A_24, %gt3A : i32
      %convert_element_type3A = arith.extui %gt3A_48 : i1 to i32
      %cond3A = arith.constant 0 : i32
      %cond3A_49 = arith.cmpi ne, %convert_element_type3A, %cond3A : i32
      scf.if %cond3A_49 {
        %sub3A = arith.constant 1 : i32
        %sub3A_86 = arith.subi %scan3A_24, %sub3A : i32
        %dma_wait3A_87 = arith.constant 0 : i32
        %dma_wait3A_88 = tpu.memref_slice %arg4[%sub3A_86, %dma_wait3A_87, %mul3A_2] : memref<50x1000x4096xi32, #tpu.memory_space<hbm>> -> memref<1x504x128xi32, #tpu.memory_space<hbm>>
        %dma_wait3A_89 = arith.constant 0 : i32
        %dma_wait3A_90 = tpu.memref_slice %arg4[%sub3A_86, %dma_wait3A_89, %mul3A_2] : memref<50x1000x4096xi32, #tpu.memory_space<hbm>> -> memref<1x504x128xi32, #tpu.memory_space<hbm>>
        tpu.wait_dma2 semaphore(%arg8 : memref<!tpu.dma_semaphore, #tpu.memory_space<semaphore_mem>>) src(%arg6 : memref<1x504x128xi32, #tpu.memory_space<vmem>>) dst(%dma_wait3A_90 : memref<1x504x128xi32, #tpu.memory_space<hbm>>)
        %scan3A_91 = arith.constant 0 : i32
        %scan3A_92 = arith.constant 0 : i32
        %scan3A_93 = arith.constant 8 : i32
        %scan3A_94 = arith.addi %scan3A_92, %scan3A_93 : i32
        %scan3A_95 = arith.constant 1 : i32
        scf.for %scan3A_97 = %scan3A_92 to %scan3A_94 step %scan3A_95  : i32 {
          %mul3A_98 = arith.constant 16 : i32
          %mul3A_99 = arith.muli %scan3A_97, %mul3A_98 : i32
          %add3A_100 = vector.broadcast %mul3A_99 : i32 to vector<16xi32>
          %add3A_101 = arith.addi %add3A_100, %iota3A : vector<16xi32>
          %mul3A_102 = arith.constant 16 : i32
          %mul3A_103 = arith.muli %scan3A_97, %mul3A_102 : i32
          %get3A = arith.index_cast %rem3A_29 : i32 to index
          %get3A_104 = arith.index_cast %mul3A_103 : i32 to index
          %get3A_105 = tpu.vector_load %arg5[%get3A, %get3A_104] {strides = array<i32>} : memref<3x128xi32, #tpu.memory_space<vmem>>, vector<16xi32>,
          %ge3A = arith.constant 0 : i32
          %ge3A_106 = vector.broadcast %ge3A : i32 to vector<16xi32>
          %ge3A_107 = arith.cmpi sge, %get3A_105, %ge3A_106 : vector<16xi32>
          %lt3A = arith.constant 504 : i32
          %lt3A_108 = vector.broadcast %lt3A : i32 to vector<16xi32>
          %lt3A_109 = arith.cmpi slt, %get3A_105, %lt3A_108 : vector<16xi32>
          %and3A = arith.andi %ge3A_107, %lt3A_109 : vector<16xi1>
          %sub3A_110 = arith.constant 0 : i32
          %sub3A_111 = vector.broadcast %sub3A_110 : i32 to vector<16xi32>
          %sub3A_112 = arith.subi %get3A_105, %sub3A_111 : vector<16xi32>
          %max3A = arith.constant 0 : i32
          %max3A_113 = vector.broadcast %max3A : i32 to vector<16xi32>
          %max3A_114 = arith.maxsi %sub3A_112, %max3A_113 : vector<16xi32>
          %min3A = arith.constant 503 : i32
          %min3A_115 = vector.broadcast %min3A : i32 to vector<16xi32>
          %min3A_116 = arith.minsi %max3A_114, %min3A_115 : vector<16xi32>
          tpu.vector_store_idx %arg6[%broadcast_in_dim3A_7, %min3A_116, %add3A_101], %broadcast_in_dim3A_5 masked %and3A : memref<1x504x128xi32, #tpu.memory_space<vmem>>[vector<16xi32>, vector<16xi32>, vector<16xi32>], vector<16xi32>, vector<16xi1>
        }
        %scan3A_96 = arith.constant 8 : i32
      } else {
      }
      %scan3A_50 = arith.constant 0 : i32
      %scan3A_51 = arith.constant 0 : i32
      %scan3A_52 = arith.constant 8 : i32
      %scan3A_53 = arith.addi %scan3A_51, %scan3A_52 : i32
      %scan3A_54 = arith.constant 1 : i32
      scf.for %scan3A_86 = %scan3A_51 to %scan3A_53 step %scan3A_54  : i32 {
        %mul3A_87 = arith.constant 16 : i32
        %mul3A_88 = arith.muli %scan3A_86, %mul3A_87 : i32
        %add3A_89 = vector.broadcast %mul3A_88 : i32 to vector<16xi32>
        %add3A_90 = arith.addi %add3A_89, %iota3A : vector<16xi32>
        %mul3A_91 = arith.constant 16 : i32
        %mul3A_92 = arith.muli %scan3A_86, %mul3A_91 : i32
        %get3A = arith.index_cast %rem3A_25 : i32 to index
        %get3A_93 = arith.index_cast %mul3A_92 : i32 to index
        %get3A_94 = tpu.vector_load %arg5[%get3A, %get3A_93] {strides = array<i32>} : memref<3x128xi32, #tpu.memory_space<vmem>>, vector<16xi32>,
        %ge3A = arith.constant 0 : i32
        %ge3A_95 = vector.broadcast %ge3A : i32 to vector<16xi32>
        %ge3A_96 = arith.cmpi sge, %get3A_94, %ge3A_95 : vector<16xi32>
        %lt3A = arith.constant 504 : i32
        %lt3A_97 = vector.broadcast %lt3A : i32 to vector<16xi32>
        %lt3A_98 = arith.cmpi slt, %get3A_94, %lt3A_97 : vector<16xi32>
        %and3A = arith.andi %ge3A_96, %lt3A_98 : vector<16xi1>
        %sub3A = arith.constant 0 : i32
        %sub3A_99 = vector.broadcast %sub3A : i32 to vector<16xi32>
        %sub3A_100 = arith.subi %get3A_94, %sub3A_99 : vector<16xi32>
        %max3A = arith.constant 0 : i32
        %max3A_101 = vector.broadcast %max3A : i32 to vector<16xi32>
        %max3A_102 = arith.maxsi %sub3A_100, %max3A_101 : vector<16xi32>
        %min3A = arith.constant 503 : i32
        %min3A_103 = vector.broadcast %min3A : i32 to vector<16xi32>
        %min3A_104 = arith.minsi %max3A_102, %min3A_103 : vector<16xi32>
        tpu.vector_store_idx %arg6[%broadcast_in_dim3A_7, %min3A_104, %add3A_90], %broadcast_in_dim3A_3 masked %and3A : memref<1x504x128xi32, #tpu.memory_space<vmem>>[vector<16xi32>, vector<16xi32>, vector<16xi32>], vector<16xi32>, vector<16xi1>
      }
      %scan3A_55 = arith.constant 8 : i32
      %dma_start3A_56 = arith.constant 0 : i32
      %dma_start3A_57 = tpu.memref_slice %arg4[%scan3A_24, %dma_start3A_56, %mul3A_2] : memref<50x1000x4096xi32, #tpu.memory_space<hbm>> -> memref<1x504x128xi32, #tpu.memory_space<hbm>>
      %dma_start3A_58 = arith.constant 0 : i32
      %dma_start3A_59 = tpu.memref_slice %arg4[%scan3A_24, %dma_start3A_58, %mul3A_2] : memref<50x1000x4096xi32, #tpu.memory_space<hbm>> -> memref<1x504x128xi32, #tpu.memory_space<hbm>>
      tpu.enqueue_dma source(%arg6 : memref<1x504x128xi32, #tpu.memory_space<vmem>>) target(%dma_start3A_59 : memref<1x504x128xi32, #tpu.memory_space<hbm>>) target_semaphore(%arg8 : memref<!tpu.dma_semaphore, #tpu.memory_space<semaphore_mem>>)
      %gt3A_60 = arith.constant 0 : i32
      %gt3A_61 = arith.cmpi sgt, %scan3A_24, %gt3A_60 : i32
      %convert_element_type3A_62 = arith.extui %gt3A_61 : i1 to i32
      %cond3A_63 = arith.constant 0 : i32
      %cond3A_64 = arith.cmpi ne, %convert_element_type3A_62, %cond3A_63 : i32
      scf.if %cond3A_64 {
        %sub3A = arith.constant 1 : i32
        %sub3A_86 = arith.subi %scan3A_24, %sub3A : i32
        %dma_wait3A_87 = arith.constant 504 : i32
        %dma_wait3A_88 = tpu.memref_slice %arg4[%sub3A_86, %dma_wait3A_87, %mul3A_2] : memref<50x1000x4096xi32, #tpu.memory_space<hbm>> -> memref<1x496x128xi32, #tpu.memory_space<hbm>>
        %dma_wait3A_89 = arith.constant 504 : i32
        %dma_wait3A_90 = tpu.memref_slice %arg4[%sub3A_86, %dma_wait3A_89, %mul3A_2] : memref<50x1000x4096xi32, #tpu.memory_space<hbm>> -> memref<1x496x128xi32, #tpu.memory_space<hbm>>
        tpu.wait_dma2 semaphore(%arg9 : memref<!tpu.dma_semaphore, #tpu.memory_space<semaphore_mem>>) src(%arg7 : memref<1x496x128xi32, #tpu.memory_space<vmem>>) dst(%dma_wait3A_90 : memref<1x496x128xi32, #tpu.memory_space<hbm>>)
        %scan3A_91 = arith.constant 0 : i32
        %scan3A_92 = arith.constant 0 : i32
        %scan3A_93 = arith.constant 8 : i32
        %scan3A_94 = arith.addi %scan3A_92, %scan3A_93 : i32
        %scan3A_95 = arith.constant 1 : i32
        scf.for %scan3A_97 = %scan3A_92 to %scan3A_94 step %scan3A_95  : i32 {
          %mul3A_98 = arith.constant 16 : i32
          %mul3A_99 = arith.muli %scan3A_97, %mul3A_98 : i32
          %add3A_100 = vector.broadcast %mul3A_99 : i32 to vector<16xi32>
          %add3A_101 = arith.addi %add3A_100, %iota3A : vector<16xi32>
          %mul3A_102 = arith.constant 16 : i32
          %mul3A_103 = arith.muli %scan3A_97, %mul3A_102 : i32
          %get3A = arith.index_cast %rem3A_29 : i32 to index
          %get3A_104 = arith.index_cast %mul3A_103 : i32 to index
          %get3A_105 = tpu.vector_load %arg5[%get3A, %get3A_104] {strides = array<i32>} : memref<3x128xi32, #tpu.memory_space<vmem>>, vector<16xi32>,
          %ge3A = arith.constant 504 : i32
          %ge3A_106 = vector.broadcast %ge3A : i32 to vector<16xi32>
          %ge3A_107 = arith.cmpi sge, %get3A_105, %ge3A_106 : vector<16xi32>
          %lt3A = arith.constant 1000 : i32
          %lt3A_108 = vector.broadcast %lt3A : i32 to vector<16xi32>
          %lt3A_109 = arith.cmpi slt, %get3A_105, %lt3A_108 : vector<16xi32>
          %and3A = arith.andi %ge3A_107, %lt3A_109 : vector<16xi1>
          %sub3A_110 = arith.constant 504 : i32
          %sub3A_111 = vector.broadcast %sub3A_110 : i32 to vector<16xi32>
          %sub3A_112 = arith.subi %get3A_105, %sub3A_111 : vector<16xi32>
          %max3A = arith.constant 0 : i32
          %max3A_113 = vector.broadcast %max3A : i32 to vector<16xi32>
          %max3A_114 = arith.maxsi %sub3A_112, %max3A_113 : vector<16xi32>
          %min3A = arith.constant 495 : i32
          %min3A_115 = vector.broadcast %min3A : i32 to vector<16xi32>
          %min3A_116 = arith.minsi %max3A_114, %min3A_115 : vector<16xi32>
          tpu.vector_store_idx %arg7[%broadcast_in_dim3A_7, %min3A_116, %add3A_101], %broadcast_in_dim3A_5 masked %and3A : memref<1x496x128xi32, #tpu.memory_space<vmem>>[vector<16xi32>, vector<16xi32>, vector<16xi32>], vector<16xi32>, vector<16xi1>
        }
        %scan3A_96 = arith.constant 8 : i32
      } else {
      }
      %scan3A_65 = arith.constant 0 : i32
      %scan3A_66 = arith.constant 0 : i32
      %scan3A_67 = arith.constant 8 : i32
      %scan3A_68 = arith.addi %scan3A_66, %scan3A_67 : i32
      %scan3A_69 = arith.constant 1 : i32
      scf.for %scan3A_86 = %scan3A_66 to %scan3A_68 step %scan3A_69  : i32 {
        %mul3A_87 = arith.constant 16 : i32
        %mul3A_88 = arith.muli %scan3A_86, %mul3A_87 : i32
        %add3A_89 = vector.broadcast %mul3A_88 : i32 to vector<16xi32>
        %add3A_90 = arith.addi %add3A_89, %iota3A : vector<16xi32>
        %mul3A_91 = arith.constant 16 : i32
        %mul3A_92 = arith.muli %scan3A_86, %mul3A_91 : i32
        %get3A = arith.index_cast %rem3A_25 : i32 to index
        %get3A_93 = arith.index_cast %mul3A_92 : i32 to index
        %get3A_94 = tpu.vector_load %arg5[%get3A, %get3A_93] {strides = array<i32>} : memref<3x128xi32, #tpu.memory_space<vmem>>, vector<16xi32>,
        %ge3A = arith.constant 504 : i32
        %ge3A_95 = vector.broadcast %ge3A : i32 to vector<16xi32>
        %ge3A_96 = arith.cmpi sge, %get3A_94, %ge3A_95 : vector<16xi32>
        %lt3A = arith.constant 1000 : i32
        %lt3A_97 = vector.broadcast %lt3A : i32 to vector<16xi32>
        %lt3A_98 = arith.cmpi slt, %get3A_94, %lt3A_97 : vector<16xi32>
        %and3A = arith.andi %ge3A_96, %lt3A_98 : vector<16xi1>
        %sub3A = arith.constant 504 : i32
        %sub3A_99 = vector.broadcast %sub3A : i32 to vector<16xi32>
        %sub3A_100 = arith.subi %get3A_94, %sub3A_99 : vector<16xi32>
        %max3A = arith.constant 0 : i32
        %max3A_101 = vector.broadcast %max3A : i32 to vector<16xi32>
        %max3A_102 = arith.maxsi %sub3A_100, %max3A_101 : vector<16xi32>
        %min3A = arith.constant 495 : i32
        %min3A_103 = vector.broadcast %min3A : i32 to vector<16xi32>
        %min3A_104 = arith.minsi %max3A_102, %min3A_103 : vector<16xi32>
        tpu.vector_store_idx %arg7[%broadcast_in_dim3A_7, %min3A_104, %add3A_90], %broadcast_in_dim3A_3 masked %and3A : memref<1x496x128xi32, #tpu.memory_space<vmem>>[vector<16xi32>, vector<16xi32>, vector<16xi32>], vector<16xi32>, vector<16xi1>
      }
      %scan3A_70 = arith.constant 8 : i32
      %dma_start3A_71 = arith.constant 504 : i32
      %dma_start3A_72 = tpu.memref_slice %arg4[%scan3A_24, %dma_start3A_71, %mul3A_2] : memref<50x1000x4096xi32, #tpu.memory_space<hbm>> -> memref<1x496x128xi32, #tpu.memory_space<hbm>>
      %dma_start3A_73 = arith.constant 504 : i32
      %dma_start3A_74 = tpu.memref_slice %arg4[%scan3A_24, %dma_start3A_73, %mul3A_2] : memref<50x1000x4096xi32, #tpu.memory_space<hbm>> -> memref<1x496x128xi32, #tpu.memory_space<hbm>>
      tpu.enqueue_dma source(%arg7 : memref<1x496x128xi32, #tpu.memory_space<vmem>>) target(%dma_start3A_74 : memref<1x496x128xi32, #tpu.memory_space<hbm>>) target_semaphore(%arg9 : memref<!tpu.dma_semaphore, #tpu.memory_space<semaphore_mem>>)
      %dma_wait3A_75 = arith.constant 0 : i32
      %dma_wait3A_76 = arith.constant 0 : i32
      %dma_wait3A_77 = tpu.memref_slice %arg5[%dma_wait3A_75, %dma_wait3A_76] : memref<3x128xi32, #tpu.memory_space<vmem>> -> memref<1x128xi32, #tpu.memory_space<vmem>>
      %dma_wait3A_78 = tpu.memref_squeeze %dma_wait3A_77 : memref<1x128xi32, #tpu.memory_space<vmem>> -> memref<128xi32, #tpu.memory_space<vmem>>
      %dma_wait3A_79 = arith.constant 0 : i32
      %dma_wait3A_80 = tpu.memref_slice %arg2[%dma_wait3A_79] : memref<204800xi32, #tpu.memory_space<hbm>> -> memref<128xi32, #tpu.memory_space<hbm>>
      %dma_wait3A_81 = arith.constant 0 : i32
      %dma_wait3A_82 = tpu.memref_slice %arg5[%dma_wait3A_75, %dma_wait3A_81] : memref<3x128xi32, #tpu.memory_space<vmem>> -> memref<1x128xi32, #tpu.memory_space<vmem>>
      %dma_wait3A_83 = tpu.memref_squeeze %dma_wait3A_82 : memref<1x128xi32, #tpu.memory_space<vmem>> -> memref<128xi32, #tpu.memory_space<vmem>>
      %dma_wait3A_84 = arith.constant 0 : i32
      %dma_wait3A_85 = tpu.memref_slice %arg2[%dma_wait3A_84] : memref<204800xi32, #tpu.memory_space<hbm>> -> memref<128xi32, #tpu.memory_space<hbm>>
      tpu.wait_dma2 semaphore(%arg10 : memref<!tpu.dma_semaphore, #tpu.memory_space<semaphore_mem>>) src(%dma_wait3A_85 : memref<128xi32, #tpu.memory_space<hbm>>) dst(%dma_wait3A_83 : memref<128xi32, #tpu.memory_space<vmem>>)
    }
    %scan3A_12 = arith.constant 50 : i32
    %dma_wait3A = arith.constant 49 : i32
    %dma_wait3A_13 = arith.constant 0 : i32
    %dma_wait3A_14 = tpu.memref_slice %arg4[%dma_wait3A, %dma_wait3A_13, %mul3A_2] : memref<50x1000x4096xi32, #tpu.memory_space<hbm>> -> memref<1x504x128xi32, #tpu.memory_space<hbm>>
    %dma_wait3A_15 = arith.constant 49 : i32
    %dma_wait3A_16 = arith.constant 0 : i32
    %dma_wait3A_17 = tpu.memref_slice %arg4[%dma_wait3A_15, %dma_wait3A_16, %mul3A_2] : memref<50x1000x4096xi32, #tpu.memory_space<hbm>> -> memref<1x504x128xi32, #tpu.memory_space<hbm>>
    tpu.wait_dma2 semaphore(%arg8 : memref<!tpu.dma_semaphore, #tpu.memory_space<semaphore_mem>>) src(%arg6 : memref<1x504x128xi32, #tpu.memory_space<vmem>>) dst(%dma_wait3A_17 : memref<1x504x128xi32, #tpu.memory_space<hbm>>)
    %dma_wait3A_18 = arith.constant 49 : i32
    %dma_wait3A_19 = arith.constant 504 : i32
    %dma_wait3A_20 = tpu.memref_slice %arg4[%dma_wait3A_18, %dma_wait3A_19, %mul3A_2] : memref<50x1000x4096xi32, #tpu.memory_space<hbm>> -> memref<1x496x128xi32, #tpu.memory_space<hbm>>
    %dma_wait3A_21 = arith.constant 49 : i32
    %dma_wait3A_22 = arith.constant 504 : i32
    %dma_wait3A_23 = tpu.memref_slice %arg4[%dma_wait3A_21, %dma_wait3A_22, %mul3A_2] : memref<50x1000x4096xi32, #tpu.memory_space<hbm>> -> memref<1x496x128xi32, #tpu.memory_space<hbm>>
    tpu.wait_dma2 semaphore(%arg9 : memref<!tpu.dma_semaphore, #tpu.memory_space<semaphore_mem>>) src(%arg7 : memref<1x496x128xi32, #tpu.memory_space<vmem>>) dst(%dma_wait3A_23 : memref<1x496x128xi32, #tpu.memory_space<hbm>>)
    return
  }
}

</mosaic_0001>

<sc_bundles>
// kernel: kernel.3.cloned.1.call-start
scs
__scs_entry_jumppad:
0x0: {  	(pc) =	sbr.rel $0x88, $3  }
0x1: {  	(tag) =	ssettag $0x0;
	lr =	simm.s32 $0x1  }
0x2: {  	[smem:$0x3FA0] =	sst lr;
	_ =	strace $0xD0000000  }
0x3: {  	_ = 	snop  }
0x4: {  	_ = 	snop  }
0x5: {  	_ = 	snop  }
0x6: {  	_ = 	snop  }
0x7: {  	_ = 	snop  }
__scs_overlays_trampoline_lowered:
0x8: {  	[smem:$0x3FAF] =	sst s0  }
0x9: {  	[smem:$0x3FB0] =	sst s1  }
0xa: {  	[smem:$0x3FB1] =	sst s2  }
0xb: {  	[smem:$0x3FB2] =	sst s3  }
0xc: {  	[smem:$0x3FB3] =	sst s4  }
0xd: {  	[smem:$0x3FB4] =	sst s5  }
0xe: {  	[smem:$0x3FB5] =	sst s6  }
0xf: {  	[smem:$0x3FB6] =	sst s7  }
0x10: {  	[smem:$0x3FB7] =	sst s8  }
0x11: {  	[smem:$0x3FB8] =	sst s9;
	s0 =	simm.s32 @!p0 $0x0  }
0x12: {  	s1 =	sld [smem:$0x3F9E];
	s0 =	simm.s32 @p0 $0x1  }
0x13: {  	[smem:$0x3FB9] =	sst s0;
	s0 =	simm.s32 @!p1 $0x0  }
0x14: {  	s2 =	sld [smem:$0x3F9D];
	s0 =	simm.s32 @p1 $0x1  }
0x15: {  	[smem:$0x3FBA] =	sst s0;
	s0 =	simm.s32 @!p2 $0x0  }
0x16: {  	s3 =	sld [smem:$0x3FDB];
	s0 =	simm.s32 @p2 $0x1  }
0x17: {  	s4 =	simm.s32 $0x1BF5;
	[smem:$0x3FBC] =	sst s0  }
0x18: {  	s0 =	sld [smem:$0x3F9F];
	_ =	swait.ge [sflag:s4], $0x0  }
0x19: {  	s7 =	sld [smem:$0x3FA0]  }
0x1a: {  	s8 =	sadd.s32 $0xFFFFE003, lr  }
0x1b: {  	s9 =	sadd.s32 $0xFFFFFEF7, lr;
	s5 =	simm.s32 $0xFFFFFFFF;
	p2 =	slt.u32 s8, $0xFFFFF086  }
0x1c: {  	p1 =	slt.u32 s9, $0xF7A;
	s5 =	simm.s32 @!p2 $0x0  }
0x1d: {  	s5 =	simm.s32 @p1 $0x1;
	p0 =	seq.s32 s7, s2  }
0x1e: {  	s7 =	smul.u32 @!p0 $0xF7A, s2;
	p2 =	seq.s32 @!p0 s5, $0x0  }
0x1f: {  	s9 =	smul.u32 $0xF7A, s1;
	s8 =	simm.s32 @!p0 $0x1BF5;
	p2 =	por !p2, p0  }
0x20: {  	[sflag:s8] =	ssyncset.s32 @!p0 $0xFFFFF086;
	s6 =	sadd.s32 @!p0 s3, s7;
	s7 =	simm.s32 @!p0 $0x108  }
0x21: {  	s3 =	sadd.s32 s3, s9;
	s6 =	sadd.s32 @!p0 $0x88, s6;
	s7 =	simm.s32 @p2 $0x1082  }
0x22: {  	[simem:s7], [sflag:s8] =	dma.local @!p0 [hbm:s6], $0xF7A  }
0x23: {  	s9 =	sor.u32 $0xD0000000, s2;
	s6 =	simm.s32 $0x108;
	_ =	swait.ge @!p0 [sflag:s8], $0x0  }
0x24: {  	s3 =	sadd.s32 $0x88, s3;
	s6 =	simm.s32 @!p1 $0x1082;
	[sflag:s4] =	ssyncset.s32 $0xFFFFF086  }
0x25: {  	[simem:s6], [sflag:s4] =	dma.local [hbm:s3], $0xF7A  }
0x26: {  	[smem:$0x3FA0] =	sst s1;
	(tag) =	ssettag s2;
	_ =	strace s9  }
0x27: {  	s1 =	sld [smem:$0x3FB0]  }
0x28: {  	s2 =	sld [smem:$0x3FB1]  }
0x29: {  	s4 =	sld [smem:$0x3FB3]  }
0x2a: {  	p0 =	seq.s32 s5, $0x0;
	s5 =	sld [smem:$0x3FB4]  }
0x2b: {  	s6 =	sld [smem:$0x3FB5]  }
0x2c: {  	s7 =	sld [smem:$0x3FB6]  }
0x2d: {  	s3 =	simm.s32 $0x108;
	s8 =	sld [smem:$0x3FB7]  }
0x2e: {  	s3 =	simm.s32 @!p0 $0x1082;
	s9 =	sld [smem:$0x3FB8]  }
0x2f: {  	lr =	sadd.s32 s0, s3;
	s0 =	sld [smem:$0x3FAF]  }
0x30: {  	s3 =	sld [smem:$0x3FB2]  }
0x31: {  	[smem:$0x3FBB] =	sst s10  }
0x32: {  	s10 =	sld [smem:$0x3FB9];
	_ =	sdelay $0x3  }
0x33: {  	p0 =	seq.s32 s10, $0x1;
	s10 =	sld [smem:$0x3FBB];
	_ =	sdelay $0x3  }
0x34: {  	[smem:$0x3FBB] =	sst s10  }
0x35: {  	s10 =	sld [smem:$0x3FBA];
	_ =	sdelay $0x3  }
0x36: {  	p1 =	seq.s32 s10, $0x1;
	s10 =	sld [smem:$0x3FBB];
	_ =	sdelay $0x3  }
0x37: {  	[smem:$0x3FBB] =	sst s10  }
0x38: {  	s10 =	sld [smem:$0x3FBC]  }
0x39: {  	_ = 	snop;
	(pc) =	sbr.ind lr, $3  }
0x3a: {  	_ = 	snop  }
0x3b: {  	_ = 	snop  }
0x3c: {  	p2 =	seq.s32 s10, $0x1;
	s10 =	sld [smem:$0x3FBB]  }
0x3d: {  	_ =	shalt  }
0x3e: {  	_ =	shalt  }
0x3f: {  	_ =	shalt  }
0x40: {  	_ =	shalt  }
0x41: {  	_ =	shalt  }
0x42: {  	_ =	shalt  }
0x43: {  	_ =	shalt  }
0x44: {  	_ =	shalt  }
0x45: {  	_ =	shalt  }
0x46: {  	_ =	shalt  }
0x47: {  	_ =	shalt  }
0x48: {  	_ =	shalt  }
0x49: {  	_ =	shalt  }
0x4a: {  	_ =	shalt  }
0x4b: {  	_ =	shalt  }
0x4c: {  	_ =	shalt  }
0x4d: {  	_ =	shalt  }
0x4e: {  	_ =	shalt  }
0x4f: {  	_ =	shalt  }
0x50: {  	_ =	shalt  }
0x51: {  	_ =	shalt  }
0x52: {  	_ =	shalt  }
0x53: {  	_ =	shalt  }
0x54: {  	_ =	shalt  }
0x55: {  	_ =	shalt  }
0x56: {  	_ =	shalt  }
0x57: {  	_ =	shalt  }
0x58: {  	_ =	shalt  }
0x59: {  	_ =	shalt  }
0x5a: {  	_ =	shalt  }
0x5b: {  	_ =	shalt  }
0x5c: {  	_ =	shalt  }
0x5d: {  	_ =	shalt  }
0x5e: {  	_ =	shalt  }
0x5f: {  	_ =	shalt  }
0x60: {  	_ =	shalt  }
0x61: {  	_ =	shalt  }
0x62: {  	_ =	shalt  }
0x63: {  	_ =	shalt  }
0x64: {  	_ =	shalt  }
0x65: {  	_ =	shalt  }
0x66: {  	_ =	shalt  }
0x67: {  	_ =	shalt  }
0x68: {  	_ =	shalt  }
0x69: {  	_ =	shalt  }
0x6a: {  	_ =	shalt  }
0x6b: {  	_ =	shalt  }
0x6c: {  	_ =	shalt  }
0x6d: {  	_ =	shalt  }
0x6e: {  	_ =	shalt  }
0x6f: {  	_ =	shalt  }
0x70: {  	_ =	shalt  }
0x71: {  	_ =	shalt  }
0x72: {  	_ =	shalt  }
0x73: {  	_ =	shalt  }
0x74: {  	_ =	shalt  }
0x75: {  	_ =	shalt  }
0x76: {  	_ =	shalt  }
0x77: {  	_ =	shalt  }
0x78: {  	_ =	shalt  }
0x79: {  	_ =	shalt  }
0x7a: {  	_ =	shalt  }
0x7b: {  	_ =	shalt  }
0x7c: {  	_ =	shalt  }
0x7d: {  	_ =	shalt  }
0x7e: {  	_ =	shalt  }
0x7f: {  	_ =	shalt  }
0x80: {  	_ =	shalt  }
0x81: {  	_ =	shalt  }
0x82: {  	_ =	shalt  }
0x83: {  	_ =	shalt  }
0x84: {  	_ =	shalt  }
0x85: {  	_ =	shalt  }
0x86: {  	_ =	shalt  }
0x87: {  	_ =	shalt  }
.Lfunc_end0:
.L_simem_size_0:
called_computation_lowered:
.L_overlay_start_0:
0x88: {  	s2 =	sld [smem:$0x3FD9]  }
0x89: {  	s3 =	sld [smem:$0x3FFE];
	_ =	sdelay $0x1  }
0x8a: {  	s1 =	srdreg.scid  }
0x8b: {  	s0 =	sand.u32 $0x1, s1  }
0x8c: {  	s17 =	sshll.u32 s0, $0xA;
	s2 =	sadd.s32 s3, s2  }
0x8d: {  	s2 =	sadd.s32 s2, s17  }
0x8e: {  	[smem:$0x3FC7] =	sst s2  }
0x8f: {  	_ = 	snop  }
0x90: {  	s2 =	sld [smem:$0x3FD0];
	(tm) =	ssettm $0x1  }
0x91: {  	s18 =	sld [smem:$0x3FFB];
	_ =	sdelay $0x3  }
0x92: {  	_ =	strace s18  }
0x93: {  	s3 =	sld [smem:$0x3FFC];
	_ =	sdelay $0x3  }
0x94: {  	_ =	strace s3  }
0x95: {  	s3 =	sld [smem:$0x3FFD];
	_ =	sdelay $0x3  }
0x96: {  	_ =	strace s3  }
0x97: {  	_ =	strace $0x8FFFFFFF  }
0x98: {  	s19 =	sld [smem:$0x3FDB];
	_ =	sdelay $0x1  }
0x99: {  	s4 =	simm.s32 $_scs_section_size  }
0x9a: {  	s5 =	simm.s32 $_size__tile_overlayer_lowered;
	s6 =	simm.s32 $_tile_overlayer_lowered  }
0x9b: {  	s22 =	simm.s32 $0x1BFF;
	s21 =	sshll.u32 s6, $0x1;
	s3 =	sadd.s32 s4, s19  }
0x9c: {  	s7 =	simm.s32 $0x0;
	s20 =	sshll.u32 s5, $0x1;
	s5 =	sadd.s32 s21, s3  }
0x9d: {  	[timem:s7], [sflag:s22] =	dma.local [hbm:s5], s20  }
0x9e: {  	_ =	swait.ge [sflag:s22], s20  }
0x9f: {  	s4 =	ssub.s32 $0x0, s20;
	[sflag:s22] =	ssyncset.done $0x0  }
0xa0: {  	[sflag:s22] =	ssyncadd.s32 s4;
	_ =	sdelay $0x1  }
0xa1: {  	s23 =	simm.s32 $0x1B8B  }
0xa2: {  	_ =	swait.ge [sflag:s23], $0x1  }
0xa3: {  	[sflag:s23] =	ssyncset.done $0x0  }
0xa4: {  	s25 =	simm.s32 $0x1B8E;
	s24 =	sld [smem:$0x3FFE];
	[sflag:s23] =	ssyncadd.s32 $0xFFFFFFFF  }
0xa5: {  	s26 =	simm.s32 $execute0_lowered;
	[smem:$0x3FD2] =	sst s25  }
0xa6: {  	s5 =	sshll.u32 s26, $0x1;
	_ =	strace $0x80000046;
	[dreg:$0x1] =	wrdreg $0xFFFFFFFF  }
0xa7: {  	s28 =	simm.s32 $_size_execute0_lowered;
	s3 =	sadd.s32 s3, s5;
	[dreg:$0x0] =	wrdreg $0x0  }
0xa8: {  	s5 =	sshll.u32 s28, $0x1;
	[dreg:$0x2] =	wrdreg s3  }
0xa9: {  	[dreg:$0x3] =	wrdreg s5  }
0xaa: {  	[dreg:$0x4] =	wrdreg $0xC0  }
0xab: {  	_ =	task [dreg:s7], $0x5FFFF  }
0xac: {  	[dreg:$0x1] =	wrdreg $0xFFFFFFFF  }
0xad: {  	[dreg:$0x0] =	wrdreg $0x60  }
0xae: {  	[dreg:$0x2] =	wrdreg s24  }
0xaf: {  	[dreg:$0x3] =	wrdreg s2  }
0xb0: {  	[dreg:$0x4] =	wrdreg $0x9  }
0xb1: {  	_ =	task.clear_ibuf [dreg:s7], $0x5FFFF;
	_ =	strace $0x90000046  }
0xb2: {  	s29 =	simm.s32 $0x9;
	_ =	strace $0x80000048  }
0xb3: {  	_ =	swait.ge [sflag:s29], $0x1  }
0xb4: {  	[sflag:s29] =	ssyncadd.s32 $0xFFFFFFFF  }
0xb5: {  	_ =	strace $0x90000048  }
0xb6: {  	_ =	sfence  }
0xb7: {  	s30 =	sld [smem:$0x0];
	_ =	sdelay $0x2  }
0xb8: {  	s31 =	sshll.u32 s1, $0xD;
	s1 =	sshrl.u32 s1, $0x2  }
0xb9: {  	s3 =	sand.u32 $0x4000, s31;
	s1 =	sadd.s32 s1, s30  }
0xba: {  	s0 =	sor.u32 s3, s0;
	s1 =	sshll.u32 s1, $0x11  }
0xbb: {  	s0 =	sor.u32 s1, s0  }
0xbc: {  	s0 =	sadd.s32 $0x8F2B, s0  }
0xbd: {  	[sflag:s0] =	ssyncadd.remote.s32 $0x1  }
0xbe: {  	_ =	sfence.sel $0xFFFF  }
0xbf: {  	[dreg:$0x0] =	wrdreg $0xFFFFFFFF;
	(pc) =	sbr.abs _section_cstart, $3  }
0xc0: {  	[dreg:$0x1] =	wrdreg $0xFFFFFFFF  }
0xc1: {  	_ =	task.clear_ibuf [dreg:s7], $0x2FFFF;
	_ =	strace $0x9FFFFFFF  }
0xc2: {  	(tm) =	ssettm $0x7FFFFFFF  }
0xc3: {  	_ =	shalt  }
tec
execute0_lowered:
.L_overlay_start_1:
0x0: {  	(tag) =	ssettag $0x1  }
0x1: {  	s7 =	rddreg [dreg:$0x0]  }
0x2: {  	s1 =	rddreg [dreg:$0x1]  }
0x3: {  	s0 =	rddreg [dreg:$0x2];
	s2 =	simm.s32 $0x0  }
0x4: {  	s5 =	srdreg.scid;
	s3 =	stileid.u32;
	s11 =	simm.s32 $0x200  }
0x5: {  	s12 =	simm.s32 $0x4;
	s13 =	simm.s32 $0xFE00;
	s14 =	simm.s32 $0x400  }
0x6: {  	s15 =	simm.s32 $0x8000;
	s16 =	simm.s32 $0x3;
	s17 =	simm.s32 $0x1  }
0x7: {  	s18 =	simm.s32 $0x2;
	s19 =	simm.s32 $0x0;
	[smem:$0x7FF] =	sst s2  }
0x8: {  	s4 =	sadd.s32 $0x400, s7;
	s5 =	sand.u32 $0x1, s5;
	s6 =	sshll.u32 s3, $0x8  }
0x9: {  	_ =	strace $0x80000047;
	s8 =	ssub.s32 $0x2, s5;
	s9 =	sshll.u32 s5, $0x7  }
0xa: {  	s5 =	sadd.s32 $0x6800, s7;
	s10 =	sshrl.u32 s8, $0x1;
	s6 =	sor.u32 s9, s6  }
0xb: {  	s7 =	sadd.s32 $0x8780, s7;
	s10 =	ssub.s32 s8, s10;
	s31 =	sshrl.u32 s6, $0x3  }
0xc: {  	v0 =	vlaneseq.u32;
	v1 =	vimm.s32 $0x1;
	v2 =	vimm.s32 $0x0;
	s9 =	sshll.u32 s6, $0x3;
	s8 =	sadd.s32 s4, s31;
	s10 =	smax.u32 s10, $0x1  }
.LBB2_1:
0xd: {  	[tilespmem:s11], [sflag:$0x4] =	stream.linear.gather [hbm4b:s5+s2], $0xFC00, $0x38;
	[tilespmem:$0x1F600] =	vst v63  }
0xe: {  	_ =	swait.ge [sflag:s12], $0xFC00  }
0xf: {  	[sflag:s12] =	ssyncset.done $0x0  }
0x10: {  	[sflag:s12] =	ssyncadd.s32 $0xFFFF0400  }
0x11: {  	[tilespmem:s13], [sflag:$0x4] =	stream.linear.gather [hbm4b:s7+s2], $0xF800, $0x38;
	[tilespmem:$0x1F600] =	vst v63  }
0x12: {  	_ =	swait.ge [sflag:s12], $0xF800  }
0x13: {  	[sflag:s12] =	ssyncset.done $0x0  }
0x14: {  	[sflag:s12] =	ssyncadd.s32 $0xFFFF0800  }
0x15: {  	[tilespmem:s2], [sflag:$0x4] =	stream.linear.gather [hbm4b:s8+s2], $0x80, $0x38;
	[tilespmem:$0x1F600] =	vst v63  }
0x16: {  	_ =	swait.ge [sflag:s12], $0x80  }
0x17: {  	s20 =	simm.s32 $0x100;
	s21 =	simm.s32 $0x0;
	[sflag:s12] =	ssyncset.done $0x0  }
0x18: {  	s22 =	simm.s32 $0x2;
	s26 =	simm.s32 $0x0;
	[sflag:s12] =	ssyncadd.s32 $0xFFFFFF80  }
.LBB2_2:
0x19: {  	s23 =	sadd.s32 $0x1, s26  }
0x1a: {  	s24 =	smul.u32 $0xAB, s23;
	_ =	sdelay $0x1  }
0x1b: {  	s28 =	smulhi.u32 $0xAAAAAAAB, s22;
	s24 =	sshrl.u32 s24, $0x9  }
0x1c: {  	p0 =	seq.s32 s23, $0x32;
	s24 =	sand.u32 $0x7F, s24  }
0x1d: {  	s25 =	sshll.u32 s23, $0xC;
	s28 =	sshrl.u32 s28, $0x1;
	s24 =	smul.u32 $0x3, s24  }
0x1e: {  	s25 =	simm.s32 @p0 $0x0;
	p0 =	seq.s32 s26, $0x0;
	s28 =	smul.u32 $0xFFFFFA00, s28  }
.Ltmp0:
0x1f: {  	s25 =	sor.u32 s6, s25;
	s24 =	ssub.s32 s23, s24;
	(pc) =	sbr.rel @p0 .LBB2_6-.Ltmp0, $4  }
0x20: {  	s25 =	sshrl.u32 s25, $0x3;
	s24 =	sand.u32 $0xFF, s24  }
0x21: {  	s25 =	sadd.s32 s4, s25;
	s31 =	sshra.s32 s28, $0x2;
	s24 =	sshll.u32 s24, $0x7  }
0x22: {  	[tilespmem:s24], [sflag:$0x3] =	stream.linear.gather [hbm4b:s25+s2], $0x80, $0x38;
	[tilespmem:$0x1F600] =	vst v63  }
0x23: {  	s24 =	sadd.s32 s31, s20  }
0x24: {  	_ =	swait.ge [sflag:s17], $0xFC00  }
0x25: {  	[sflag:s17] =	ssyncset.done $0x0  }
0x26: {  	[sflag:s17] =	ssyncadd.s32 $0xFFFF0400  }
0x27: {  	s25 =	simm.s32 $0x0;
	s28 =	simm.s32 $0x10;
	s29 =	smov.u32 s24;
	v3 =	vld [tilespmem:s24+$0x0]  }
.LBB2_4:
0x28: {  	p1 =	sne.s32 s28, $0x70;
	_ =	sdelay $0x3  }
0x29: {  	vm0 =	vgt.s32 v3, $0x0  }
0x2a: {  	v4 =	vnsel vm0, $0x0, v3  }
0x2b: {  	v4 =	vmin.u32 v4, $0x1F7  }
0x2c: {  	v4 =	vshll.u32 v4, $0x7  }
0x2d: {  	vm0 =	vlt.u32 v3, $0x1F8;
	v3 =	vadd.s32 s25, v4;
	s25 =	smov.u32 s28  }
0x2e: {  	v3 =	vadd.s32 v0, v3;
	_ =	sdelay $0x1  }
.Ltmp1:
0x2f: {  	(pc) =	sbr.rel @p1 .LBB2_4-.Ltmp1, $3  }
0x30: {  	_ =	sdelay $0x1  }
0x31: {  	s29 =	sadd.s32 $0x10, s29;
	[tilespmem:v3+s11+$0x0] =	vst.idx.msk vm0, v2  }
0x32: {  	s28 =	sadd.s32 $0x10, s28;
	v3 =	vld [tilespmem:s29+$0x0]  }
0x33: {  	_ =	sdelay $0x3  }
0x34: {  	vm0 =	vgt.s32 v3, $0x0  }
0x35: {  	v4 =	vnsel vm0, $0x0, v3  }
0x36: {  	v4 =	vmin.u32 v4, $0x1F7  }
0x37: {  	v4 =	vshll.u32 v4, $0x7  }
0x38: {  	vm15 =	vlt.u32 v3, $0x1F8;
	v3 =	vadd.s32 s25, v4  }
0x39: {  	v3 =	vadd.s32 v0, v3;
	_ =	sdelay $0x4  }
0x3a: {  	[tilespmem:v3+s11+$0x0] =	vst.idx.msk vm15, v2  }
.LBB2_6:
0x3b: {  	s25 =	smulhi.u32 $0xAAAAAAAB, s26;
	_ =	sdelay $0x1  }
0x3c: {  	s25 =	sshrl.u32 s25, $0x1  }
0x3d: {  	s25 =	smul.u32 $0xFFFFFA00, s25;
	_ =	sdelay $0x1  }
0x3e: {  	s25 =	sshra.s32 s25, $0x2  }
0x3f: {  	s25 =	sadd.s32 s25, s21  }
0x40: {  	s28 =	simm.s32 $0x0;
	s29 =	simm.s32 $0x10;
	v3 =	vld [tilespmem:s25+$0x0];
	s30 =	smov.u32 s25  }
.LBB2_7:
0x41: {  	p1 =	sne.s32 s29, $0x70;
	_ =	sdelay $0x3  }
0x42: {  	vm0 =	vgt.s32 v3, $0x0  }
0x43: {  	v4 =	vnsel vm0, $0x0, v3  }
0x44: {  	v4 =	vmin.u32 v4, $0x1F7  }
0x45: {  	v4 =	vshll.u32 v4, $0x7  }
0x46: {  	vm0 =	vlt.u32 v3, $0x1F8;
	v3 =	vadd.s32 s28, v4;
	s28 =	smov.u32 s29  }
0x47: {  	v3 =	vadd.s32 v0, v3;
	_ =	sdelay $0x1  }
.Ltmp2:
0x48: {  	(pc) =	sbr.rel @p1 .LBB2_7-.Ltmp2, $3  }
0x49: {  	_ =	sdelay $0x1  }
0x4a: {  	s30 =	sadd.s32 $0x10, s30;
	[tilespmem:v3+s11+$0x0] =	vst.idx.msk vm0, v1  }
0x4b: {  	s29 =	sadd.s32 $0x10, s29;
	v3 =	vld [tilespmem:s30+$0x0]  }
0x4c: {  	_ =	sdelay $0x3  }
0x4d: {  	vm0 =	vgt.s32 v3, $0x0  }
0x4e: {  	v4 =	vnsel vm0, $0x0, v3  }
0x4f: {  	v4 =	vmin.u32 v4, $0x1F7  }
0x50: {  	v4 =	vshll.u32 v4, $0x7  }
0x51: {  	vm15 =	vlt.u32 v3, $0x1F8;
	v3 =	vadd.s32 s28, v4  }
0x52: {  	v3 =	vadd.s32 v0, v3  }
0x53: {  	s26 =	smul.u32 $0x3E8000, s26  }
.Ltmp3:
0x54: {  	_ = 	snop;
	(pc) =	sbr.rel @p0 .LBB2_12-.Ltmp3, $4  }
0x55: {  	s26 =	sor.u32 s9, s26  }
0x56: {  	s26 =	sshrl.u32 s26, $0x3  }
0x57: {  	s26 =	sadd.s32 s1, s26;
	[tilespmem:v3+s11+$0x0] =	vst.idx.msk vm15, v1  }
0x58: {  	[hbm4b:s26+s14] =	stream.strided.scatter [tilespmem:s11], [sflag:$0x1], $0xFC00, s15, s14, $0x38;
	[tilespmem:$0x1F600] =	vst v63  }
0x59: {  	_ =	swait.ge [sflag:s18], $0xF800  }
0x5a: {  	[sflag:s18] =	ssyncset.done $0x0  }
0x5b: {  	[sflag:s18] =	ssyncadd.s32 $0xFFFF0800  }
0x5c: {  	s28 =	simm.s32 $0x0;
	s29 =	simm.s32 $0x10;
	v3 =	vld [tilespmem:s24+$0x0]  }
.LBB2_10:
0x5d: {  	p0 =	sne.s32 s29, $0x70;
	_ =	sdelay $0x3  }
0x5e: {  	v3 =	vadd.s32 $0xFFFFFE08, v3  }
0x5f: {  	vm0 =	vgt.s32 v3, $0x0  }
0x60: {  	v4 =	vnsel vm0, $0x0, v3  }
0x61: {  	v4 =	vmin.u32 v4, $0x1EF  }
0x62: {  	v4 =	vshll.u32 v4, $0x7  }
0x63: {  	vm0 =	vlt.u32 v3, $0x1F0;
	v3 =	vadd.s32 s28, v4;
	s28 =	smov.u32 s29  }
0x64: {  	v3 =	vadd.s32 v0, v3;
	_ =	sdelay $0x1  }
.Ltmp4:
0x65: {  	(pc) =	sbr.rel @p0 .LBB2_10-.Ltmp4, $3  }
0x66: {  	_ =	sdelay $0x1  }
0x67: {  	s24 =	sadd.s32 $0x10, s24;
	[tilespmem:v3+s13+$0x0] =	vst.idx.msk vm0, v2  }
0x68: {  	s29 =	sadd.s32 $0x10, s29;
	v3 =	vld [tilespmem:s24+$0x0]  }
0x69: {  	_ =	sdelay $0x3  }
0x6a: {  	v3 =	vadd.s32 $0xFFFFFE08, v3  }
0x6b: {  	vm0 =	vgt.s32 v3, $0x0  }
0x6c: {  	v4 =	vnsel vm0, $0x0, v3  }
0x6d: {  	v4 =	vmin.u32 v4, $0x1EF  }
0x6e: {  	v4 =	vshll.u32 v4, $0x7  }
0x6f: {  	vm15 =	vlt.u32 v3, $0x1F0;
	v3 =	vadd.s32 s28, v4  }
0x70: {  	v3 =	vadd.s32 v0, v3;
	_ =	sdelay $0x4  }
0x71: {  	[tilespmem:v3+s13+$0x0] =	vst.idx.msk vm15, v2  }
.LBB2_12:
0x72: {  	s24 =	simm.s32 $0x0;
	v3 =	vld [tilespmem:s25+$0x0];
	s28 =	simm.s32 $0x10  }
.LBB2_13:
0x73: {  	p0 =	sne.s32 s28, $0x70;
	_ =	sdelay $0x3  }
0x74: {  	v3 =	vadd.s32 $0xFFFFFE08, v3  }
0x75: {  	vm0 =	vgt.s32 v3, $0x0  }
0x76: {  	v4 =	vnsel vm0, $0x0, v3  }
0x77: {  	v4 =	vmin.u32 v4, $0x1EF  }
0x78: {  	v4 =	vshll.u32 v4, $0x7  }
0x79: {  	vm0 =	vlt.u32 v3, $0x1F0;
	v3 =	vadd.s32 s24, v4;
	s24 =	smov.u32 s28  }
0x7a: {  	v3 =	vadd.s32 v0, v3;
	_ =	sdelay $0x1  }
.Ltmp5:
0x7b: {  	(pc) =	sbr.rel @p0 .LBB2_13-.Ltmp5, $3  }
0x7c: {  	_ =	sdelay $0x1  }
0x7d: {  	s25 =	sadd.s32 $0x10, s25;
	[tilespmem:v3+s13+$0x0] =	vst.idx.msk vm0, v1  }
0x7e: {  	s28 =	sadd.s32 $0x10, s28;
	v3 =	vld [tilespmem:s25+$0x0]  }
0x7f: {  	_ =	sdelay $0x3  }
0x80: {  	v3 =	vadd.s32 $0xFFFFFE08, v3  }
0x81: {  	vm0 =	vgt.s32 v3, $0x0  }
0x82: {  	v4 =	vnsel vm0, $0x0, v3  }
0x83: {  	v4 =	vmin.u32 v4, $0x1EF  }
0x84: {  	v4 =	vshll.u32 v4, $0x7  }
0x85: {  	vm15 =	vlt.u32 v3, $0x1F0;
	v3 =	vadd.s32 s24, v4  }
0x86: {  	v3 =	vadd.s32 v0, v3;
	_ =	sdelay $0x3  }
0x87: {  	p0 =	sne.s32 s23, $0x32  }
.Ltmp6:
0x88: {  	s31 =	sadd.s32 $0x3F000, s26;
	[tilespmem:v3+s13+$0x0] =	vst.idx.msk vm15, v1;
	(pc) =	sbr.rel @p0 .LBB2_2-.Ltmp6, $4  }
0x89: {  	[hbm4b:s31+s14] =	stream.strided.scatter [tilespmem:s13], [sflag:$0x2], $0xF800, s15, s14, $0x38;
	[tilespmem:$0x1F600] =	vst v63  }
0x8a: {  	_ =	swait.ge [sflag:s16], $0x80  }
0x8b: {  	s20 =	sadd.s32 $0x80, s20;
	s22 =	sadd.s32 $0x1, s22;
	[sflag:s16] =	ssyncset.done $0x0  }
0x8c: {  	s21 =	sadd.s32 $0x80, s21;
	s26 =	smov.u32 s23;
	[sflag:s16] =	ssyncadd.s32 $0xFFFFFF80  }
0x8d: {  	s19 =	sadd.s32 $0x1, s19  }
0x8e: {  	_ =	swait.ge [sflag:s17], $0xFC00;
	p0 =	sne.s32 s19, s10  }
.Ltmp7:
0x8f: {  	[sflag:s17] =	ssyncset.done $0x0;
	(pc) =	sbr.rel @p0 .LBB2_1-.Ltmp7, $4  }
0x90: {  	[sflag:s17] =	ssyncadd.s32 $0xFFFF0400  }
0x91: {  	_ =	swait.ge [sflag:s18], $0xF800  }
0x92: {  	[sflag:s18] =	ssyncset.done $0x0  }
0x93: {  	[sflag:s18] =	ssyncadd.s32 $0xFFFF0800  }
0x94: {  	_ =	sfence.sel $0x180000  }
0x95: {  	[bflag:$0x0] =	sbarrier.arrive $0xFFFF  }
0x96: {  	p0 =	sne.s32 s3, $0x0;
	_ =	strace $0x90000047  }
0x97: {  	s0 =	sadd.s32 @!p0 $0x100000, s0;
	[bflag:$0x2] =	sbarrier.arrive $0xFFFF  }
0x98: {  	[sflag:s0] =	ssyncadd.tile.s32 @!p0 $0x1;
	_ =	shalt  }
.Lfunc_end2:
_tile_overlayer_lowered:
.L_overlay_start_2:
0x99: {  	(tag) =	ssettag $0x2  }
0x9a: {  	s0 =	rddreg [dreg:$0x0];
	s2 =	stileid.u32  }
0x9b: {  	s1 =	rddreg [dreg:$0x1];
	p0 =	sne.s32 s2, $0x0  }
0x9c: {  	s3 =	rddreg [dreg:$0x2];
	[bflag:$0x3] =	sbarrier.arrive $0xFFFF;
	s2 =	simm.s32 @!p0 $0x1C04  }
0x9d: {  	[timem:s3], [sflag:s2] =	dma.local @!p0 [hbm:s0], s1  }
0x9e: {  	s0 =	simm.s32 @!p0 $0x4  }
0x9f: {  	_ =	swait.ge @!p0 [sflag:s0], s1  }
0xa0: {  	s1 =	ssub.s32 @!p0 $0x0, s1;
	[sflag:s0] =	ssyncset.done @!p0 $0x0  }
0xa1: {  	[sflag:s0] =	ssyncadd.s32 @!p0 s1  }
0xa2: {  	[bflag:$0x3] =	sbarrier.arrive $0xFFFF  }
0xa3: {  	_ =	shalt  }

</sc_bundles>
